<compile_context>
chip_gen: v7x
topology: tpu7x:2x2x1
jax: 0.10.2.dev20260603
libtpu: 0.0.44.dev20260713+nightly
codegen_flags: <defaults>
</compile_context>

<pallas_src>
import functools

import jax
import jax.numpy as jnp
from jax import lax
from jax.experimental import pallas as pl
from jax.experimental.pallas import tpu as pltpu
from jax.experimental.pallas import tpu_sc as plsc

VOCAB = 100000
D = 768
MAX_LEN = 512
B = 64
S = 512

NC = 2
NS = 16
L = 16
NW = NC * NS

T = 32
CHUNKS = S // T
ROWS_PER_W = B // NW
NSL = D // L

_MESH = plsc.VectorSubcoreMesh(
    core_axis_name="c", subcore_axis_name="s", num_cores=NC, num_subcores=NS
)


def _lanesum(v):
  lanes = lax.iota(jnp.int32, L)
  dnums = lax.GatherDimensionNumbers(
      offset_dims=(), collapsed_slice_dims=(0,), start_index_map=(0,))
  for k in (8, 4, 2, 1):
    idx = (lanes ^ k).reshape(L, 1)
    v = v + lax.gather(v, idx, dnums, (1,),
                       mode=lax.GatherScatterMode.PROMISE_IN_BOUNDS)
  return v


def _rsqrt16(x):
  i = lax.bitcast_convert_type(x, jnp.int32)
  i = jnp.int32(0x5F3759DF) - lax.shift_right_logical(i, 1)
  y = lax.bitcast_convert_type(i, jnp.float32)
  for _ in range(3):
    y = y * (1.5 - 0.5 * x * y * y)
  return y


@functools.partial(
    pl.kernel,
    out_type=jax.ShapeDtypeStruct((B, S, D), jnp.float32),
    mesh=_MESH,
    scratch_types=[
        pltpu.VMEM((T,), jnp.int32),
        pltpu.VMEM((T,), jnp.int32),
        pltpu.VMEM((T, D), jnp.float32),
        pltpu.VMEM((T, D), jnp.float32),
        pltpu.VMEM((T, D), jnp.float32),
        pltpu.VMEM((D,), jnp.float32),
        pltpu.VMEM((D,), jnp.float32),
        pltpu.SemaphoreType.DMA,
        pltpu.SemaphoreType.DMA,
    ],
)
def _embed_ln(x_hbm, seg_hbm, tok_hbm, pos_hbm, segt_hbm, g_hbm, bt_hbm,
              out_hbm, idx_v, sidx_v, tok_v, pos_v, seg_v, gam_v, bet_v,
              sem_t, sem_s):
  wid = lax.axis_index("s") * NC + lax.axis_index("c")
  pltpu.sync_copy(g_hbm, gam_v)
  pltpu.sync_copy(bt_hbm, bet_v)

  def chunk_body(c, _):
    pltpu.sync_copy(pos_hbm.at[pl.ds(c * T, T), :], pos_v)

    def seq_body(s, _):
      b = wid * ROWS_PER_W + s
      pltpu.sync_copy(x_hbm.at[b, pl.ds(c * T, T)], idx_v)
      pltpu.sync_copy(seg_hbm.at[b, pl.ds(c * T, T)], sidx_v)
      cp_t = pltpu.async_copy(tok_hbm.at[idx_v], tok_v, sem_t)
      cp_s = pltpu.async_copy(segt_hbm.at[sidx_v], seg_v, sem_s)
      cp_t.wait()
      cp_s.wait()

      def tok_body(t, _):
        def acc_body(j, carry):
          acc, accsq = carry
          sl = pl.ds(j * L, L)
          v = tok_v[t, sl] + pos_v[t, sl] + seg_v[t, sl]
          tok_v[t, sl] = v
          return acc + v, accsq + v * v

        acc, accsq = lax.fori_loop(
            0, NSL, acc_body,
            (jnp.zeros((L,), jnp.float32), jnp.zeros((L,), jnp.float32)))
        mean = _lanesum(acc) * (1.0 / D)
        ssq = _lanesum(accsq) * (1.0 / D)
        rstd = _rsqrt16(ssq - mean * mean + 1e-5)

        def norm_body(j, _):
          sl = pl.ds(j * L, L)
          v = (tok_v[t, sl] - mean) * rstd
          tok_v[t, sl] = v * gam_v[sl] + bet_v[sl]
          return 0

        lax.fori_loop(0, NSL, norm_body, 0)
        return 0

      lax.fori_loop(0, T, tok_body, 0)
      pltpu.sync_copy(tok_v, out_hbm.at[b, pl.ds(c * T, T), :])
      return 0

    lax.fori_loop(0, ROWS_PER_W, seq_body, 0)
    return 0

  lax.fori_loop(0, CHUNKS, chunk_body, 0)


def kernel(x, seg_ids, tok_table, pos_table, seg_table, gamma, beta):
  return _embed_ln(x, seg_ids, tok_table, pos_table, seg_table, gamma, beta)

# --- scband reference (transcript-rebuilt; emitter-appended) ---
"""Pipeline reference for scband-bert-embedding-85555748536371 (READ-ONLY COPY).

The authoritative reference and input builder live on the scoring server;
editing this copy changes nothing except your own understanding.
"""

import jax, jax.numpy as jnp
import numpy as np

VOCAB = 100000
D_MODEL = 768
MAX_LEN = 512
BATCH = 64
SEQ = 512

def setup_inputs(seed: int = 0) -> dict:
    key = jax.random.key(seed)
    ks = jax.random.split(key, 8)
    x = jax.random.randint(ks[0], (BATCH, SEQ), 0, VOCAB, dtype=jnp.int64 if jax.config.jax_enable_x64 else jnp.int32)
    seg_ids = jax.random.randint(ks[1], (BATCH, SEQ), 0, 3, dtype=jnp.int64 if jax.config.jax_enable_x64 else jnp.int32)
    tok_table = jax.random.normal(ks[2], (VOCAB, D_MODEL), dtype=jnp.float32) * 0.02
    # padding_idx=0 -> row 0 zeroed at init in torch
    tok_table = tok_table.at[0].set(0.0)
    pos_table = jax.random.normal(ks[3], (MAX_LEN, D_MODEL), dtype=jnp.float32) * 0.02
    seg_table = jax.random.normal(ks[4], (3, D_MODEL), dtype=jnp.float32) * 0.02
    seg_table = seg_table.at[0].set(0.0)
    gamma = jnp.ones((D_MODEL,), dtype=jnp.float32)
    beta = jnp.zeros((D_MODEL,), dtype=jnp.float32)
    return {"x": x, "seg_ids": seg_ids, "tok_table": tok_table, "pos_table": pos_table, "seg_table": seg_table, "gamma": gamma, "beta": beta}

def layer_norm(h, gamma, beta, eps=1e-5):
    mean = jnp.mean(h, axis=-1, keepdims=True)
    var = jnp.mean((h - mean) ** 2, axis=-1, keepdims=True)
    return (h - mean) / jnp.sqrt(var + eps) * gamma + beta

def reference(x, seg_ids, tok_table, pos_table, seg_table, gamma, beta):
    seq_len = x.shape[1]
    pos_ids = jnp.arange(seq_len)
    tok_emb = jnp.take(tok_table, x, axis=0)
    pos_emb = jnp.take(pos_table, pos_ids, axis=0)[None, :, :]
    seg_emb = jnp.take(seg_table, seg_ids, axis=0)
    embeddings = tok_emb + pos_emb + seg_emb
    embeddings = layer_norm(embeddings, gamma, beta)
    # dropout is identity in eval mode
    return embeddings

if __name__ == "__main__":
    import jax
    _d = setup_inputs()
    print(jax.jit(kernel)(*tuple(_d.values())))

</pallas_src>

<mosaic_0001>
#map = affine_map<(d0, d1) -> (0, 0)>
#map1 = affine_map<(d0, d1) -> (0)>
#map2 = affine_map<(d0, d1) -> (0, 0, 0)>
module attributes {stable_mosaic.version = 14 : i64} {
  func.func @_embed_ln(%arg0: i32, %arg1: i32, %arg2: memref<64x512xi32, #tpu.memory_space<hbm>>, %arg3: memref<64x512xi32, #tpu.memory_space<hbm>>, %arg4: memref<100000x768xf32, #tpu.memory_space<hbm>>, %arg5: memref<512x768xf32, #tpu.memory_space<hbm>>, %arg6: memref<3x768xf32, #tpu.memory_space<hbm>>, %arg7: memref<768xf32, #tpu.memory_space<hbm>>, %arg8: memref<768xf32, #tpu.memory_space<hbm>>, %arg9: memref<64x512x768xf32, #tpu.memory_space<hbm>>, %arg10: memref<32xi32, #tpu.memory_space<vmem>>, %arg11: memref<32xi32, #tpu.memory_space<vmem>>, %arg12: memref<32x768xf32, #tpu.memory_space<vmem>>, %arg13: memref<32x768xf32, #tpu.memory_space<vmem>>, %arg14: memref<32x768xf32, #tpu.memory_space<vmem>>, %arg15: memref<768xf32, #tpu.memory_space<vmem>>, %arg16: memref<768xf32, #tpu.memory_space<vmem>>, %arg17: memref<!tpu.dma_semaphore, #tpu.memory_space<semaphore_mem>>, %arg18: memref<!tpu.dma_semaphore, #tpu.memory_space<semaphore_mem>>) attributes {dimension_semantics = [#tpu.dimension_semantics<core_parallel>, #tpu.dimension_semantics<subcore_parallel>], iteration_bounds = array<i64: 2, 16>, scalar_prefetch = 0 : i64, scratch_operands = 9 : i64, tpu.core_type = #tpu.core_type<sc_vector_subcore>, window_params = [{transform_indices = #map}, {transform_indices = #map}, {transform_indices = #map}, {transform_indices = #map}, {transform_indices = #map}, {transform_indices = #map1}, {transform_indices = #map1}, {transform_indices = #map2}]} {
    %mul3A = arith.constant 2 : i32
    %mul3A_0 = arith.muli %arg1, %mul3A : i32
    %add3A = arith.addi %mul3A_0, %arg0 : i32
    "tpu.region"() ({
      %run_scoped3A = tpu.sem_alloc : memref<!tpu.dma_semaphore, #tpu.memory_space<semaphore_mem>>
      tpu.enqueue_dma source(%arg7 : memref<768xf32, #tpu.memory_space<hbm>>) target(%arg15 : memref<768xf32, #tpu.memory_space<vmem>>) target_semaphore(%run_scoped3A : memref<!tpu.dma_semaphore, #tpu.memory_space<semaphore_mem>>)
      tpu.wait_dma2 semaphore(%run_scoped3A : memref<!tpu.dma_semaphore, #tpu.memory_space<semaphore_mem>>) src(%arg7 : memref<768xf32, #tpu.memory_space<hbm>>) dst(%arg15 : memref<768xf32, #tpu.memory_space<vmem>>)
      tpu.yield
    }) : () -> ()
    "tpu.region"() ({
      %run_scoped3A = tpu.sem_alloc : memref<!tpu.dma_semaphore, #tpu.memory_space<semaphore_mem>>
      tpu.enqueue_dma source(%arg8 : memref<768xf32, #tpu.memory_space<hbm>>) target(%arg16 : memref<768xf32, #tpu.memory_space<vmem>>) target_semaphore(%run_scoped3A : memref<!tpu.dma_semaphore, #tpu.memory_space<semaphore_mem>>)
      tpu.wait_dma2 semaphore(%run_scoped3A : memref<!tpu.dma_semaphore, #tpu.memory_space<semaphore_mem>>) src(%arg8 : memref<768xf32, #tpu.memory_space<hbm>>) dst(%arg16 : memref<768xf32, #tpu.memory_space<vmem>>)
      tpu.yield
    }) : () -> ()
    %scan3A = arith.constant 0 : i32
    %scan3A_1 = arith.constant 0 : i32
    %scan3A_2 = arith.constant 16 : i32
    %scan3A_3 = arith.addi %scan3A_1, %scan3A_2 : i32
    %scan3A_4 = arith.constant 1 : i32
    %scan3A_5 = scf.for %scan3A_7 = %scan3A_1 to %scan3A_3 step %scan3A_4 iter_args(%scan3A_8 = %scan3A) -> (i32)  : i32 {
      %mul3A_9 = arith.constant 32 : i32
      %mul3A_10 = arith.muli %scan3A_7, %mul3A_9 : i32
      "tpu.region"() ({
        %run_scoped3A = tpu.sem_alloc : memref<!tpu.dma_semaphore, #tpu.memory_space<semaphore_mem>>
        %dma_start3A = arith.constant 0 : i32
        %dma_start3A_19 = tpu.memref_slice %arg5[%mul3A_10, %dma_start3A] : memref<512x768xf32, #tpu.memory_space<hbm>> -> memref<32x768xf32, #tpu.memory_space<hbm>>
        %dma_start3A_20 = arith.constant 0 : i32
        %dma_start3A_21 = tpu.memref_slice %arg5[%mul3A_10, %dma_start3A_20] : memref<512x768xf32, #tpu.memory_space<hbm>> -> memref<32x768xf32, #tpu.memory_space<hbm>>
        tpu.enqueue_dma source(%dma_start3A_21 : memref<32x768xf32, #tpu.memory_space<hbm>>) target(%arg13 : memref<32x768xf32, #tpu.memory_space<vmem>>) target_semaphore(%run_scoped3A : memref<!tpu.dma_semaphore, #tpu.memory_space<semaphore_mem>>)
        %dma_wait3A = arith.constant 0 : i32
        %dma_wait3A_22 = tpu.memref_slice %arg5[%mul3A_10, %dma_wait3A] : memref<512x768xf32, #tpu.memory_space<hbm>> -> memref<32x768xf32, #tpu.memory_space<hbm>>
        %dma_wait3A_23 = arith.constant 0 : i32
        %dma_wait3A_24 = tpu.memref_slice %arg5[%mul3A_10, %dma_wait3A_23] : memref<512x768xf32, #tpu.memory_space<hbm>> -> memref<32x768xf32, #tpu.memory_space<hbm>>
        tpu.wait_dma2 semaphore(%run_scoped3A : memref<!tpu.dma_semaphore, #tpu.memory_space<semaphore_mem>>) src(%dma_wait3A_24 : memref<32x768xf32, #tpu.memory_space<hbm>>) dst(%arg13 : memref<32x768xf32, #tpu.memory_space<vmem>>)
        tpu.yield
      }) : () -> ()
      %scan3A_11 = arith.constant 0 : i32
      %scan3A_12 = arith.constant 0 : i32
      %scan3A_13 = arith.constant 2 : i32
      %scan3A_14 = arith.addi %scan3A_12, %scan3A_13 : i32
      %scan3A_15 = arith.constant 1 : i32
      %scan3A_16 = scf.for %scan3A_19 = %scan3A_12 to %scan3A_14 step %scan3A_15 iter_args(%scan3A_20 = %scan3A_11) -> (i32)  : i32 {
        %mul3A_21 = arith.constant 2 : i32
        %mul3A_22 = arith.muli %add3A, %mul3A_21 : i32
        %add3A_23 = arith.addi %mul3A_22, %scan3A_19 : i32
        %mul3A_24 = arith.constant 32 : i32
        %mul3A_25 = arith.muli %scan3A_7, %mul3A_24 : i32
        "tpu.region"() ({
          %run_scoped3A = tpu.sem_alloc : memref<!tpu.dma_semaphore, #tpu.memory_space<semaphore_mem>>
          %dma_start3A_48 = tpu.memref_slice %arg2[%add3A_23, %mul3A_25] : memref<64x512xi32, #tpu.memory_space<hbm>> -> memref<1x32xi32, #tpu.memory_space<hbm>>
          %dma_start3A_49 = tpu.memref_squeeze %dma_start3A_48 : memref<1x32xi32, #tpu.memory_space<hbm>> -> memref<32xi32, #tpu.memory_space<hbm>>
          %dma_start3A_50 = tpu.memref_slice %arg2[%add3A_23, %mul3A_25] : memref<64x512xi32, #tpu.memory_space<hbm>> -> memref<1x32xi32, #tpu.memory_space<hbm>>
          %dma_start3A_51 = tpu.memref_squeeze %dma_start3A_50 : memref<1x32xi32, #tpu.memory_space<hbm>> -> memref<32xi32, #tpu.memory_space<hbm>>
          tpu.enqueue_dma source(%dma_start3A_51 : memref<32xi32, #tpu.memory_space<hbm>>) target(%arg10 : memref<32xi32, #tpu.memory_space<vmem>>) target_semaphore(%run_scoped3A : memref<!tpu.dma_semaphore, #tpu.memory_space<semaphore_mem>>)
          %dma_wait3A_52 = tpu.memref_slice %arg2[%add3A_23, %mul3A_25] : memref<64x512xi32, #tpu.memory_space<hbm>> -> memref<1x32xi32, #tpu.memory_space<hbm>>
          %dma_wait3A_53 = tpu.memref_squeeze %dma_wait3A_52 : memref<1x32xi32, #tpu.memory_space<hbm>> -> memref<32xi32, #tpu.memory_space<hbm>>
          %dma_wait3A_54 = tpu.memref_slice %arg2[%add3A_23, %mul3A_25] : memref<64x512xi32, #tpu.memory_space<hbm>> -> memref<1x32xi32, #tpu.memory_space<hbm>>
          %dma_wait3A_55 = tpu.memref_squeeze %dma_wait3A_54 : memref<1x32xi32, #tpu.memory_space<hbm>> -> memref<32xi32, #tpu.memory_space<hbm>>
          tpu.wait_dma2 semaphore(%run_scoped3A : memref<!tpu.dma_semaphore, #tpu.memory_space<semaphore_mem>>) src(%dma_wait3A_55 : memref<32xi32, #tpu.memory_space<hbm>>) dst(%arg10 : memref<32xi32, #tpu.memory_space<vmem>>)
          tpu.yield
        }) : () -> ()
        %mul3A_26 = arith.constant 32 : i32
        %mul3A_27 = arith.muli %scan3A_7, %mul3A_26 : i32
        "tpu.region"() ({
          %run_scoped3A = tpu.sem_alloc : memref<!tpu.dma_semaphore, #tpu.memory_space<semaphore_mem>>
          %dma_start3A_48 = tpu.memref_slice %arg3[%add3A_23, %mul3A_27] : memref<64x512xi32, #tpu.memory_space<hbm>> -> memref<1x32xi32, #tpu.memory_space<hbm>>
          %dma_start3A_49 = tpu.memref_squeeze %dma_start3A_48 : memref<1x32xi32, #tpu.memory_space<hbm>> -> memref<32xi32, #tpu.memory_space<hbm>>
          %dma_start3A_50 = tpu.memref_slice %arg3[%add3A_23, %mul3A_27] : memref<64x512xi32, #tpu.memory_space<hbm>> -> memref<1x32xi32, #tpu.memory_space<hbm>>
          %dma_start3A_51 = tpu.memref_squeeze %dma_start3A_50 : memref<1x32xi32, #tpu.memory_space<hbm>> -> memref<32xi32, #tpu.memory_space<hbm>>
          tpu.enqueue_dma source(%dma_start3A_51 : memref<32xi32, #tpu.memory_space<hbm>>) target(%arg11 : memref<32xi32, #tpu.memory_space<vmem>>) target_semaphore(%run_scoped3A : memref<!tpu.dma_semaphore, #tpu.memory_space<semaphore_mem>>)
          %dma_wait3A_52 = tpu.memref_slice %arg3[%add3A_23, %mul3A_27] : memref<64x512xi32, #tpu.memory_space<hbm>> -> memref<1x32xi32, #tpu.memory_space<hbm>>
          %dma_wait3A_53 = tpu.memref_squeeze %dma_wait3A_52 : memref<1x32xi32, #tpu.memory_space<hbm>> -> memref<32xi32, #tpu.memory_space<hbm>>
          %dma_wait3A_54 = tpu.memref_slice %arg3[%add3A_23, %mul3A_27] : memref<64x512xi32, #tpu.memory_space<hbm>> -> memref<1x32xi32, #tpu.memory_space<hbm>>
          %dma_wait3A_55 = tpu.memref_squeeze %dma_wait3A_54 : memref<1x32xi32, #tpu.memory_space<hbm>> -> memref<32xi32, #tpu.memory_space<hbm>>
          tpu.wait_dma2 semaphore(%run_scoped3A : memref<!tpu.dma_semaphore, #tpu.memory_space<semaphore_mem>>) src(%dma_wait3A_55 : memref<32xi32, #tpu.memory_space<hbm>>) dst(%arg11 : memref<32xi32, #tpu.memory_space<vmem>>)
          tpu.yield
        }) : () -> ()
        %dma_start3A = arith.constant 0 : i32
        %dma_start3A_28 = arith.constant 0 : i32
        %dma_start3A_29 = tpu.memref_slice %arg4[%dma_start3A, %dma_start3A_28] : memref<100000x768xf32, #tpu.memory_space<hbm>> -> memref<100000x768xf32, #tpu.memory_space<hbm>>
        tpu.enqueue_indirect_dma source(%dma_start3A_29 : memref<100000x768xf32, #tpu.memory_space<hbm>>) target(%arg12 : memref<32x768xf32, #tpu.memory_space<vmem>>) offsets(%arg10 : memref<32xi32, #tpu.memory_space<vmem>>) semaphore(%arg17 : memref<!tpu.dma_semaphore, #tpu.memory_space<semaphore_mem>>)
        %dma_start3A_30 = arith.constant 0 : i32
        %dma_start3A_31 = arith.constant 0 : i32
        %dma_start3A_32 = tpu.memref_slice %arg6[%dma_start3A_30, %dma_start3A_31] : memref<3x768xf32, #tpu.memory_space<hbm>> -> memref<3x768xf32, #tpu.memory_space<hbm>>
        tpu.enqueue_indirect_dma source(%dma_start3A_32 : memref<3x768xf32, #tpu.memory_space<hbm>>) target(%arg14 : memref<32x768xf32, #tpu.memory_space<vmem>>) offsets(%arg11 : memref<32xi32, #tpu.memory_space<vmem>>) semaphore(%arg18 : memref<!tpu.dma_semaphore, #tpu.memory_space<semaphore_mem>>)
        %dma_wait3A = arith.constant 0 : i32
        %dma_wait3A_33 = arith.constant 0 : i32
        %dma_wait3A_34 = tpu.memref_slice %arg4[%dma_wait3A, %dma_wait3A_33] : memref<100000x768xf32, #tpu.memory_space<hbm>> -> memref<100000x768xf32, #tpu.memory_space<hbm>>
        tpu.wait_indirect_dma semaphore(%arg17 : memref<!tpu.dma_semaphore, #tpu.memory_space<semaphore_mem>>) src(%dma_wait3A_34 : memref<100000x768xf32, #tpu.memory_space<hbm>>) dst(%arg12 : memref<32x768xf32, #tpu.memory_space<vmem>>)
        %dma_wait3A_35 = arith.constant 0 : i32
        %dma_wait3A_36 = arith.constant 0 : i32
        %dma_wait3A_37 = tpu.memref_slice %arg6[%dma_wait3A_35, %dma_wait3A_36] : memref<3x768xf32, #tpu.memory_space<hbm>> -> memref<3x768xf32, #tpu.memory_space<hbm>>
        tpu.wait_indirect_dma semaphore(%arg18 : memref<!tpu.dma_semaphore, #tpu.memory_space<semaphore_mem>>) src(%dma_wait3A_37 : memref<3x768xf32, #tpu.memory_space<hbm>>) dst(%arg14 : memref<32x768xf32, #tpu.memory_space<vmem>>)
        %scan3A_38 = arith.constant 0 : i32
        %scan3A_39 = arith.constant 0 : i32
        %scan3A_40 = arith.constant 32 : i32
        %scan3A_41 = arith.addi %scan3A_39, %scan3A_40 : i32
        %scan3A_42 = arith.constant 1 : i32
        %scan3A_43 = scf.for %scan3A_48 = %scan3A_39 to %scan3A_41 step %scan3A_42 iter_args(%scan3A_49 = %scan3A_38) -> (i32)  : i32 {
          %broadcast_in_dim3A = arith.constant 0.000000e+00 : f32
          %broadcast_in_dim3A_50 = vector.broadcast %broadcast_in_dim3A : f32 to vector<16xf32>
          %broadcast_in_dim3A_51 = arith.constant 0.000000e+00 : f32
          %broadcast_in_dim3A_52 = vector.broadcast %broadcast_in_dim3A_51 : f32 to vector<16xf32>
          %scan3A_53 = arith.constant 0 : i32
          %scan3A_54 = arith.constant 48 : i32
          %scan3A_55 = arith.addi %scan3A_53, %scan3A_54 : i32
          %scan3A_56 = arith.constant 1 : i32
          %scan3A_57:2 = scf.for %scan3A_164 = %scan3A_53 to %scan3A_55 step %scan3A_56 iter_args(%scan3A_165 = %broadcast_in_dim3A_50, %scan3A_166 = %broadcast_in_dim3A_52) -> (vector<16xf32>, vector<16xf32>)  : i32 {
            %mul3A_167 = arith.constant 16 : i32
            %mul3A_168 = arith.muli %scan3A_164, %mul3A_167 : i32
            %get3A = arith.index_cast %scan3A_48 : i32 to index
            %get3A_169 = arith.index_cast %mul3A_168 : i32 to index
            %get3A_170 = tpu.vector_load %arg12[%get3A, %get3A_169] {strides = array<i32>} : memref<32x768xf32, #tpu.memory_space<vmem>>, vector<1x16xf32>,
            %get3A_171 = vector.shape_cast %get3A_170 : vector<1x16xf32> to vector<16xf32>
            %get3A_172 = arith.index_cast %scan3A_48 : i32 to index
            %get3A_173 = arith.index_cast %mul3A_168 : i32 to index
            %get3A_174 = tpu.vector_load %arg13[%get3A_172, %get3A_173] {strides = array<i32>} : memref<32x768xf32, #tpu.memory_space<vmem>>, vector<1x16xf32>,
            %get3A_175 = vector.shape_cast %get3A_174 : vector<1x16xf32> to vector<16xf32>
            %add3A_176 = arith.addf %get3A_171, %get3A_175 : vector<16xf32>
            %get3A_177 = arith.index_cast %scan3A_48 : i32 to index
            %get3A_178 = arith.index_cast %mul3A_168 : i32 to index
            %get3A_179 = tpu.vector_load %arg14[%get3A_177, %get3A_178] {strides = array<i32>} : memref<32x768xf32, #tpu.memory_space<vmem>>, vector<1x16xf32>,
            %get3A_180 = vector.shape_cast %get3A_179 : vector<1x16xf32> to vector<16xf32>
            %add3A_181 = arith.addf %add3A_176, %get3A_180 : vector<16xf32>
            %swap3A = arith.index_cast %scan3A_48 : i32 to index
            %swap3A_182 = arith.index_cast %mul3A_168 : i32 to index
            %swap3A_183 = tpu.vector_load %arg12[%swap3A, %swap3A_182] {strides = array<i32>} : memref<32x768xf32, #tpu.memory_space<vmem>>, vector<1x16xf32>,
            %swap3A_184 = vector.shape_cast %swap3A_183 : vector<1x16xf32> to vector<16xf32>
            %swap3A_185 = vector.shape_cast %add3A_181 : vector<16xf32> to vector<1x16xf32>
            tpu.vector_store %arg12[%swap3A, %swap3A_182], %swap3A_185 {strides = array<i32>} : memref<32x768xf32, #tpu.memory_space<vmem>>, vector<1x16xf32>,
            %add3A_186 = arith.addf %scan3A_165, %add3A_181 : vector<16xf32>
            %mul3A_187 = arith.mulf %add3A_181, %add3A_181 : vector<16xf32>
            %add3A_188 = arith.addf %scan3A_166, %mul3A_187 : vector<16xf32>
            scf.yield %add3A_186, %add3A_188 : vector<16xf32>, vector<16xf32>
          }
          %scan3A_58 = arith.constant 48 : i32
          %iota3A = tpu.iota {dimensions = array<i32: 0>} : vector<16xi32>
          %xor3A = arith.constant 8 : i32
          %xor3A_59 = vector.broadcast %xor3A : i32 to vector<16xi32>
          %xor3A_60 = arith.xori %iota3A, %xor3A_59 : vector<16xi32>
          %reshape3A = vector.shape_cast %xor3A_60 : vector<16xi32> to vector<16x1xi32>
          %gather3A = vector.shape_cast %reshape3A : vector<16x1xi32> to vector<16xi32>
          %gather3A_61 = tpu.dynamic_gather %scan3A_57#0[%gather3A] in [0] : vector<16xf32>, vector<16xi32> -> vector<16xf32>
          %add3A_62 = arith.addf %scan3A_57#0, %gather3A_61 : vector<16xf32>
          %xor3A_63 = arith.constant 4 : i32
          %xor3A_64 = vector.broadcast %xor3A_63 : i32 to vector<16xi32>
          %xor3A_65 = arith.xori %iota3A, %xor3A_64 : vector<16xi32>
          %reshape3A_66 = vector.shape_cast %xor3A_65 : vector<16xi32> to vector<16x1xi32>
          %gather3A_67 = vector.shape_cast %reshape3A_66 : vector<16x1xi32> to vector<16xi32>
          %gather3A_68 = tpu.dynamic_gather %add3A_62[%gather3A_67] in [0] : vector<16xf32>, vector<16xi32> -> vector<16xf32>
          %add3A_69 = arith.addf %add3A_62, %gather3A_68 : vector<16xf32>
          %xor3A_70 = arith.constant 2 : i32
          %xor3A_71 = vector.broadcast %xor3A_70 : i32 to vector<16xi32>
          %xor3A_72 = arith.xori %iota3A, %xor3A_71 : vector<16xi32>
          %reshape3A_73 = vector.shape_cast %xor3A_72 : vector<16xi32> to vector<16x1xi32>
          %gather3A_74 = vector.shape_cast %reshape3A_73 : vector<16x1xi32> to vector<16xi32>
          %gather3A_75 = tpu.dynamic_gather %add3A_69[%gather3A_74] in [0] : vector<16xf32>, vector<16xi32> -> vector<16xf32>
          %add3A_76 = arith.addf %add3A_69, %gather3A_75 : vector<16xf32>
          %xor3A_77 = arith.constant 1 : i32
          %xor3A_78 = vector.broadcast %xor3A_77 : i32 to vector<16xi32>
          %xor3A_79 = arith.xori %iota3A, %xor3A_78 : vector<16xi32>
          %reshape3A_80 = vector.shape_cast %xor3A_79 : vector<16xi32> to vector<16x1xi32>
          %gather3A_81 = vector.shape_cast %reshape3A_80 : vector<16x1xi32> to vector<16xi32>
          %gather3A_82 = tpu.dynamic_gather %add3A_76[%gather3A_81] in [0] : vector<16xf32>, vector<16xi32> -> vector<16xf32>
          %add3A_83 = arith.addf %add3A_76, %gather3A_82 : vector<16xf32>
          %mul3A_84 = arith.constant 0.00130208337 : f32
          %mul3A_85 = vector.broadcast %mul3A_84 : f32 to vector<16xf32>
          %mul3A_86 = arith.mulf %add3A_83, %mul3A_85 : vector<16xf32>
          %iota3A_87 = tpu.iota {dimensions = array<i32: 0>} : vector<16xi32>
          %xor3A_88 = arith.constant 8 : i32
          %xor3A_89 = vector.broadcast %xor3A_88 : i32 to vector<16xi32>
          %xor3A_90 = arith.xori %iota3A_87, %xor3A_89 : vector<16xi32>
          %reshape3A_91 = vector.shape_cast %xor3A_90 : vector<16xi32> to vector<16x1xi32>
          %gather3A_92 = vector.shape_cast %reshape3A_91 : vector<16x1xi32> to vector<16xi32>
          %gather3A_93 = tpu.dynamic_gather %scan3A_57#1[%gather3A_92] in [0] : vector<16xf32>, vector<16xi32> -> vector<16xf32>
          %add3A_94 = arith.addf %scan3A_57#1, %gather3A_93 : vector<16xf32>
          %xor3A_95 = arith.constant 4 : i32
          %xor3A_96 = vector.broadcast %xor3A_95 : i32 to vector<16xi32>
          %xor3A_97 = arith.xori %iota3A_87, %xor3A_96 : vector<16xi32>
          %reshape3A_98 = vector.shape_cast %xor3A_97 : vector<16xi32> to vector<16x1xi32>
          %gather3A_99 = vector.shape_cast %reshape3A_98 : vector<16x1xi32> to vector<16xi32>
          %gather3A_100 = tpu.dynamic_gather %add3A_94[%gather3A_99] in [0] : vector<16xf32>, vector<16xi32> -> vector<16xf32>
          %add3A_101 = arith.addf %add3A_94, %gather3A_100 : vector<16xf32>
          %xor3A_102 = arith.constant 2 : i32
          %xor3A_103 = vector.broadcast %xor3A_102 : i32 to vector<16xi32>
          %xor3A_104 = arith.xori %iota3A_87, %xor3A_103 : vector<16xi32>
          %reshape3A_105 = vector.shape_cast %xor3A_104 : vector<16xi32> to vector<16x1xi32>
          %gather3A_106 = vector.shape_cast %reshape3A_105 : vector<16x1xi32> to vector<16xi32>
          %gather3A_107 = tpu.dynamic_gather %add3A_101[%gather3A_106] in [0] : vector<16xf32>, vector<16xi32> -> vector<16xf32>
          %add3A_108 = arith.addf %add3A_101, %gather3A_107 : vector<16xf32>
          %xor3A_109 = arith.constant 1 : i32
          %xor3A_110 = vector.broadcast %xor3A_109 : i32 to vector<16xi32>
          %xor3A_111 = arith.xori %iota3A_87, %xor3A_110 : vector<16xi32>
          %reshape3A_112 = vector.shape_cast %xor3A_111 : vector<16xi32> to vector<16x1xi32>
          %gather3A_113 = vector.shape_cast %reshape3A_112 : vector<16x1xi32> to vector<16xi32>
          %gather3A_114 = tpu.dynamic_gather %add3A_108[%gather3A_113] in [0] : vector<16xf32>, vector<16xi32> -> vector<16xf32>
          %add3A_115 = arith.addf %add3A_108, %gather3A_114 : vector<16xf32>
          %mul3A_116 = arith.constant 0.00130208337 : f32
          %mul3A_117 = vector.broadcast %mul3A_116 : f32 to vector<16xf32>
          %mul3A_118 = arith.mulf %add3A_115, %mul3A_117 : vector<16xf32>
          %mul3A_119 = arith.mulf %mul3A_86, %mul3A_86 : vector<16xf32>
          %sub3A = arith.subf %mul3A_118, %mul3A_119 : vector<16xf32>
          %add3A_120 = arith.constant 9.99999974E-6 : f32
          %add3A_121 = vector.broadcast %add3A_120 : f32 to vector<16xf32>
          %add3A_122 = arith.addf %sub3A, %add3A_121 : vector<16xf32>
          %bitcast_convert_type3A = tpu.bitcast %add3A_122 : vector<16xf32> -> vector<16xi32>
          %shift_right_logical3A = arith.constant 1 : i32
          %shift_right_logical3A_123 = vector.broadcast %shift_right_logical3A : i32 to vector<16xi32>
          %shift_right_logical3A_124 = arith.shrui %bitcast_convert_type3A, %shift_right_logical3A_123 : vector<16xi32>
          %sub3A_125 = arith.constant 1597463007 : i32
          %sub3A_126 = vector.broadcast %sub3A_125 : i32 to vector<16xi32>
          %sub3A_127 = arith.subi %sub3A_126, %shift_right_logical3A_124 : vector<16xi32>
          %bitcast_convert_type3A_128 = tpu.bitcast %sub3A_127 : vector<16xi32> -> vector<16xf32>
          %mul3A_129 = arith.constant 5.000000e-01 : f32
          %mul3A_130 = vector.broadcast %mul3A_129 : f32 to vector<16xf32>
          %mul3A_131 = arith.mulf %mul3A_130, %add3A_122 : vector<16xf32>
          %mul3A_132 = arith.mulf %mul3A_131, %bitcast_convert_type3A_128 : vector<16xf32>
          %mul3A_133 = arith.mulf %mul3A_132, %bitcast_convert_type3A_128 : vector<16xf32>
          %sub3A_134 = arith.constant 1.500000e+00 : f32
          %sub3A_135 = vector.broadcast %sub3A_134 : f32 to vector<16xf32>
          %sub3A_136 = arith.subf %sub3A_135, %mul3A_133 : vector<16xf32>
          %mul3A_137 = arith.mulf %bitcast_convert_type3A_128, %sub3A_136 : vector<16xf32>
          %mul3A_138 = arith.constant 5.000000e-01 : f32
          %mul3A_139 = vector.broadcast %mul3A_138 : f32 to vector<16xf32>
          %mul3A_140 = arith.mulf %mul3A_139, %add3A_122 : vector<16xf32>
          %mul3A_141 = arith.mulf %mul3A_140, %mul3A_137 : vector<16xf32>
          %mul3A_142 = arith.mulf %mul3A_141, %mul3A_137 : vector<16xf32>
          %sub3A_143 = arith.constant 1.500000e+00 : f32
          %sub3A_144 = vector.broadcast %sub3A_143 : f32 to vector<16xf32>
          %sub3A_145 = arith.subf %sub3A_144, %mul3A_142 : vector<16xf32>
          %mul3A_146 = arith.mulf %mul3A_137, %sub3A_145 : vector<16xf32>
          %mul3A_147 = arith.constant 5.000000e-01 : f32
          %mul3A_148 = vector.broadcast %mul3A_147 : f32 to vector<16xf32>
          %mul3A_149 = arith.mulf %mul3A_148, %add3A_122 : vector<16xf32>
          %mul3A_150 = arith.mulf %mul3A_149, %mul3A_146 : vector<16xf32>
          %mul3A_151 = arith.mulf %mul3A_150, %mul3A_146 : vector<16xf32>
          %sub3A_152 = arith.constant 1.500000e+00 : f32
          %sub3A_153 = vector.broadcast %sub3A_152 : f32 to vector<16xf32>
          %sub3A_154 = arith.subf %sub3A_153, %mul3A_151 : vector<16xf32>
          %mul3A_155 = arith.mulf %mul3A_146, %sub3A_154 : vector<16xf32>
          %scan3A_156 = arith.constant 0 : i32
          %scan3A_157 = arith.constant 0 : i32
          %scan3A_158 = arith.constant 48 : i32
          %scan3A_159 = arith.addi %scan3A_157, %scan3A_158 : i32
          %scan3A_160 = arith.constant 1 : i32
          %scan3A_161 = scf.for %scan3A_164 = %scan3A_157 to %scan3A_159 step %scan3A_160 iter_args(%scan3A_165 = %scan3A_156) -> (i32)  : i32 {
            %mul3A_166 = arith.constant 16 : i32
            %mul3A_167 = arith.muli %scan3A_164, %mul3A_166 : i32
            %get3A = arith.index_cast %scan3A_48 : i32 to index
            %get3A_168 = arith.index_cast %mul3A_167 : i32 to index
            %get3A_169 = tpu.vector_load %arg12[%get3A, %get3A_168] {strides = array<i32>} : memref<32x768xf32, #tpu.memory_space<vmem>>, vector<1x16xf32>,
            %get3A_170 = vector.shape_cast %get3A_169 : vector<1x16xf32> to vector<16xf32>
            %sub3A_171 = arith.subf %get3A_170, %mul3A_86 : vector<16xf32>
            %mul3A_172 = arith.mulf %sub3A_171, %mul3A_155 : vector<16xf32>
            %get3A_173 = arith.index_cast %mul3A_167 : i32 to index
            %get3A_174 = tpu.vector_load %arg15[%get3A_173] {strides = array<i32>} : memref<768xf32, #tpu.memory_space<vmem>>, vector<16xf32>,
            %get3A_175 = vector.shape_cast %get3A_174 : vector<16xf32> to vector<16xf32>
            %mul3A_176 = arith.mulf %mul3A_172, %get3A_175 : vector<16xf32>
            %get3A_177 = arith.index_cast %mul3A_167 : i32 to index
            %get3A_178 = tpu.vector_load %arg16[%get3A_177] {strides = array<i32>} : memref<768xf32, #tpu.memory_space<vmem>>, vector<16xf32>,
            %get3A_179 = vector.shape_cast %get3A_178 : vector<16xf32> to vector<16xf32>
            %add3A_180 = arith.addf %mul3A_176, %get3A_179 : vector<16xf32>
            %swap3A = arith.index_cast %scan3A_48 : i32 to index
            %swap3A_181 = arith.index_cast %mul3A_167 : i32 to index
            %swap3A_182 = tpu.vector_load %arg12[%swap3A, %swap3A_181] {strides = array<i32>} : memref<32x768xf32, #tpu.memory_space<vmem>>, vector<1x16xf32>,
            %swap3A_183 = vector.shape_cast %swap3A_182 : vector<1x16xf32> to vector<16xf32>
            %swap3A_184 = vector.shape_cast %add3A_180 : vector<16xf32> to vector<1x16xf32>
            tpu.vector_store %arg12[%swap3A, %swap3A_181], %swap3A_184 {strides = array<i32>} : memref<32x768xf32, #tpu.memory_space<vmem>>, vector<1x16xf32>,
            %scan3A_185 = arith.constant 0 : i32
            scf.yield %scan3A_185 : i32
          }
          %scan3A_162 = arith.constant 48 : i32
          %scan3A_163 = arith.constant 0 : i32
          scf.yield %scan3A_163 : i32
        }
        %scan3A_44 = arith.constant 32 : i32
        %mul3A_45 = arith.constant 32 : i32
        %mul3A_46 = arith.muli %scan3A_7, %mul3A_45 : i32
        "tpu.region"() ({
          %run_scoped3A = tpu.sem_alloc : memref<!tpu.dma_semaphore, #tpu.memory_space<semaphore_mem>>
          %dma_start3A_48 = arith.constant 0 : i32
          %dma_start3A_49 = tpu.memref_slice %arg9[%add3A_23, %mul3A_46, %dma_start3A_48] : memref<64x512x768xf32, #tpu.memory_space<hbm>> -> memref<1x32x768xf32, #tpu.memory_space<hbm>>
          %dma_start3A_50 = tpu.memref_squeeze %dma_start3A_49 : memref<1x32x768xf32, #tpu.memory_space<hbm>> -> memref<32x768xf32, #tpu.memory_space<hbm>>
          %dma_start3A_51 = arith.constant 0 : i32
          %dma_start3A_52 = tpu.memref_slice %arg9[%add3A_23, %mul3A_46, %dma_start3A_51] : memref<64x512x768xf32, #tpu.memory_space<hbm>> -> memref<1x32x768xf32, #tpu.memory_space<hbm>>
          %dma_start3A_53 = tpu.memref_squeeze %dma_start3A_52 : memref<1x32x768xf32, #tpu.memory_space<hbm>> -> memref<32x768xf32, #tpu.memory_space<hbm>>
          tpu.enqueue_dma source(%arg12 : memref<32x768xf32, #tpu.memory_space<vmem>>) target(%dma_start3A_53 : memref<32x768xf32, #tpu.memory_space<hbm>>) target_semaphore(%run_scoped3A : memref<!tpu.dma_semaphore, #tpu.memory_space<semaphore_mem>>)
          %dma_wait3A_54 = arith.constant 0 : i32
          %dma_wait3A_55 = tpu.memref_slice %arg9[%add3A_23, %mul3A_46, %dma_wait3A_54] : memref<64x512x768xf32, #tpu.memory_space<hbm>> -> memref<1x32x768xf32, #tpu.memory_space<hbm>>
          %dma_wait3A_56 = tpu.memref_squeeze %dma_wait3A_55 : memref<1x32x768xf32, #tpu.memory_space<hbm>> -> memref<32x768xf32, #tpu.memory_space<hbm>>
          %dma_wait3A_57 = arith.constant 0 : i32
          %dma_wait3A_58 = tpu.memref_slice %arg9[%add3A_23, %mul3A_46, %dma_wait3A_57] : memref<64x512x768xf32, #tpu.memory_space<hbm>> -> memref<1x32x768xf32, #tpu.memory_space<hbm>>
          %dma_wait3A_59 = tpu.memref_squeeze %dma_wait3A_58 : memref<1x32x768xf32, #tpu.memory_space<hbm>> -> memref<32x768xf32, #tpu.memory_space<hbm>>
          tpu.wait_dma2 semaphore(%run_scoped3A : memref<!tpu.dma_semaphore, #tpu.memory_space<semaphore_mem>>) src(%arg12 : memref<32x768xf32, #tpu.memory_space<vmem>>) dst(%dma_wait3A_59 : memref<32x768xf32, #tpu.memory_space<hbm>>)
          tpu.yield
        }) : () -> ()
        %scan3A_47 = arith.constant 0 : i32
        scf.yield %scan3A_47 : i32
      }
      %scan3A_17 = arith.constant 2 : i32
      %scan3A_18 = arith.constant 0 : i32
      scf.yield %scan3A_18 : i32
    }
    %scan3A_6 = arith.constant 16 : i32
    return
  }
}

</mosaic_0001>

<sc_bundles>
// kernel: kernel.3.cloned.1.call-start
scs
__scs_entry_jumppad:
0x0: {  	(pc) =	sbr.rel $0x88, $3  }
0x1: {  	(tag) =	ssettag $0x0;
	lr =	simm.s32 $0x1  }
0x2: {  	[smem:$0x3F9A] =	sst lr;
	_ =	strace $0xD0000000  }
0x3: {  	_ = 	snop  }
0x4: {  	_ = 	snop  }
0x5: {  	_ = 	snop  }
0x6: {  	_ = 	snop  }
0x7: {  	_ = 	snop  }
__scs_overlays_trampoline_lowered:
0x8: {  	[smem:$0x3FA9] =	sst s0  }
0x9: {  	[smem:$0x3FAA] =	sst s1  }
0xa: {  	[smem:$0x3FAB] =	sst s2  }
0xb: {  	[smem:$0x3FAC] =	sst s3  }
0xc: {  	[smem:$0x3FAD] =	sst s4  }
0xd: {  	[smem:$0x3FAE] =	sst s5  }
0xe: {  	[smem:$0x3FAF] =	sst s6  }
0xf: {  	[smem:$0x3FB0] =	sst s7  }
0x10: {  	[smem:$0x3FB1] =	sst s8  }
0x11: {  	[smem:$0x3FB2] =	sst s9;
	s0 =	simm.s32 @!p0 $0x0  }
0x12: {  	s1 =	sld [smem:$0x3F98];
	s0 =	simm.s32 @p0 $0x1  }
0x13: {  	[smem:$0x3FB3] =	sst s0;
	s0 =	simm.s32 @!p1 $0x0  }
0x14: {  	s2 =	sld [smem:$0x3F97];
	s0 =	simm.s32 @p1 $0x1  }
0x15: {  	[smem:$0x3FB4] =	sst s0;
	s0 =	simm.s32 @!p2 $0x0  }
0x16: {  	s3 =	sld [smem:$0x3FDB];
	s0 =	simm.s32 @p2 $0x1  }
0x17: {  	s4 =	simm.s32 $0x1BF5;
	[smem:$0x3FB6] =	sst s0  }
0x18: {  	s0 =	sld [smem:$0x3F99];
	_ =	swait.ge [sflag:s4], $0x0  }
0x19: {  	s7 =	sld [smem:$0x3F9A]  }
0x1a: {  	s8 =	sadd.s32 $0xFFFFE003, lr  }
0x1b: {  	s9 =	sadd.s32 $0xFFFFFEF7, lr;
	s5 =	simm.s32 $0xFFFFFFFF;
	p2 =	slt.u32 s8, $0xFFFFF086  }
0x1c: {  	p1 =	slt.u32 s9, $0xF7A;
	s5 =	simm.s32 @!p2 $0x0  }
0x1d: {  	s5 =	simm.s32 @p1 $0x1;
	p0 =	seq.s32 s7, s2  }
0x1e: {  	s7 =	smul.u32 @!p0 $0xF7A, s2;
	p2 =	seq.s32 @!p0 s5, $0x0  }
0x1f: {  	s9 =	smul.u32 $0xF7A, s1;
	s8 =	simm.s32 @!p0 $0x1BF5;
	p2 =	por !p2, p0  }
0x20: {  	[sflag:s8] =	ssyncset.s32 @!p0 $0xFFFFF086;
	s6 =	sadd.s32 @!p0 s3, s7;
	s7 =	simm.s32 @!p0 $0x108  }
0x21: {  	s3 =	sadd.s32 s3, s9;
	s6 =	sadd.s32 @!p0 $0x88, s6;
	s7 =	simm.s32 @p2 $0x1082  }
0x22: {  	[simem:s7], [sflag:s8] =	dma.local @!p0 [hbm:s6], $0xF7A  }
0x23: {  	s9 =	sor.u32 $0xD0000000, s2;
	s6 =	simm.s32 $0x108;
	_ =	swait.ge @!p0 [sflag:s8], $0x0  }
0x24: {  	s3 =	sadd.s32 $0x88, s3;
	s6 =	simm.s32 @!p1 $0x1082;
	[sflag:s4] =	ssyncset.s32 $0xFFFFF086  }
0x25: {  	[simem:s6], [sflag:s4] =	dma.local [hbm:s3], $0xF7A  }
0x26: {  	[smem:$0x3F9A] =	sst s1;
	(tag) =	ssettag s2;
	_ =	strace s9  }
0x27: {  	s1 =	sld [smem:$0x3FAA]  }
0x28: {  	s2 =	sld [smem:$0x3FAB]  }
0x29: {  	s4 =	sld [smem:$0x3FAD]  }
0x2a: {  	p0 =	seq.s32 s5, $0x0;
	s5 =	sld [smem:$0x3FAE]  }
0x2b: {  	s6 =	sld [smem:$0x3FAF]  }
0x2c: {  	s7 =	sld [smem:$0x3FB0]  }
0x2d: {  	s3 =	simm.s32 $0x108;
	s8 =	sld [smem:$0x3FB1]  }
0x2e: {  	s3 =	simm.s32 @!p0 $0x1082;
	s9 =	sld [smem:$0x3FB2]  }
0x2f: {  	lr =	sadd.s32 s0, s3;
	s0 =	sld [smem:$0x3FA9]  }
0x30: {  	s3 =	sld [smem:$0x3FAC]  }
0x31: {  	[smem:$0x3FB5] =	sst s10  }
0x32: {  	s10 =	sld [smem:$0x3FB3];
	_ =	sdelay $0x3  }
0x33: {  	p0 =	seq.s32 s10, $0x1;
	s10 =	sld [smem:$0x3FB5];
	_ =	sdelay $0x3  }
0x34: {  	[smem:$0x3FB5] =	sst s10  }
0x35: {  	s10 =	sld [smem:$0x3FB4];
	_ =	sdelay $0x3  }
0x36: {  	p1 =	seq.s32 s10, $0x1;
	s10 =	sld [smem:$0x3FB5];
	_ =	sdelay $0x3  }
0x37: {  	[smem:$0x3FB5] =	sst s10  }
0x38: {  	s10 =	sld [smem:$0x3FB6]  }
0x39: {  	_ = 	snop;
	(pc) =	sbr.ind lr, $3  }
0x3a: {  	_ = 	snop  }
0x3b: {  	_ = 	snop  }
0x3c: {  	p2 =	seq.s32 s10, $0x1;
	s10 =	sld [smem:$0x3FB5]  }
0x3d: {  	_ =	shalt  }
0x3e: {  	_ =	shalt  }
0x3f: {  	_ =	shalt  }
0x40: {  	_ =	shalt  }
0x41: {  	_ =	shalt  }
0x42: {  	_ =	shalt  }
0x43: {  	_ =	shalt  }
0x44: {  	_ =	shalt  }
0x45: {  	_ =	shalt  }
0x46: {  	_ =	shalt  }
0x47: {  	_ =	shalt  }
0x48: {  	_ =	shalt  }
0x49: {  	_ =	shalt  }
0x4a: {  	_ =	shalt  }
0x4b: {  	_ =	shalt  }
0x4c: {  	_ =	shalt  }
0x4d: {  	_ =	shalt  }
0x4e: {  	_ =	shalt  }
0x4f: {  	_ =	shalt  }
0x50: {  	_ =	shalt  }
0x51: {  	_ =	shalt  }
0x52: {  	_ =	shalt  }
0x53: {  	_ =	shalt  }
0x54: {  	_ =	shalt  }
0x55: {  	_ =	shalt  }
0x56: {  	_ =	shalt  }
0x57: {  	_ =	shalt  }
0x58: {  	_ =	shalt  }
0x59: {  	_ =	shalt  }
0x5a: {  	_ =	shalt  }
0x5b: {  	_ =	shalt  }
0x5c: {  	_ =	shalt  }
0x5d: {  	_ =	shalt  }
0x5e: {  	_ =	shalt  }
0x5f: {  	_ =	shalt  }
0x60: {  	_ =	shalt  }
0x61: {  	_ =	shalt  }
0x62: {  	_ =	shalt  }
0x63: {  	_ =	shalt  }
0x64: {  	_ =	shalt  }
0x65: {  	_ =	shalt  }
0x66: {  	_ =	shalt  }
0x67: {  	_ =	shalt  }
0x68: {  	_ =	shalt  }
0x69: {  	_ =	shalt  }
0x6a: {  	_ =	shalt  }
0x6b: {  	_ =	shalt  }
0x6c: {  	_ =	shalt  }
0x6d: {  	_ =	shalt  }
0x6e: {  	_ =	shalt  }
0x6f: {  	_ =	shalt  }
0x70: {  	_ =	shalt  }
0x71: {  	_ =	shalt  }
0x72: {  	_ =	shalt  }
0x73: {  	_ =	shalt  }
0x74: {  	_ =	shalt  }
0x75: {  	_ =	shalt  }
0x76: {  	_ =	shalt  }
0x77: {  	_ =	shalt  }
0x78: {  	_ =	shalt  }
0x79: {  	_ =	shalt  }
0x7a: {  	_ =	shalt  }
0x7b: {  	_ =	shalt  }
0x7c: {  	_ =	shalt  }
0x7d: {  	_ =	shalt  }
0x7e: {  	_ =	shalt  }
0x7f: {  	_ =	shalt  }
0x80: {  	_ =	shalt  }
0x81: {  	_ =	shalt  }
0x82: {  	_ =	shalt  }
0x83: {  	_ =	shalt  }
0x84: {  	_ =	shalt  }
0x85: {  	_ =	shalt  }
0x86: {  	_ =	shalt  }
0x87: {  	_ =	shalt  }
.Lfunc_end0:
.L_simem_size_0:
called_computation_lowered:
.L_overlay_start_0:
0x88: {  	s2 =	sld [smem:$0x3FD9]  }
0x89: {  	s3 =	sld [smem:$0x3FFE];
	_ =	sdelay $0x1  }
0x8a: {  	s1 =	srdreg.scid  }
0x8b: {  	s0 =	sand.u32 $0x1, s1  }
0x8c: {  	s18 =	sshll.u32 s0, $0xA;
	s2 =	sadd.s32 s3, s2  }
0x8d: {  	s2 =	sadd.s32 s2, s18  }
0x8e: {  	[smem:$0x3FC1] =	sst s2  }
0x8f: {  	_ = 	snop  }
0x90: {  	s2 =	sld [smem:$0x3FC9]  }
0x91: {  	s19 =	sld [smem:$0x3FC8]  }
0x92: {  	s4 =	sld [smem:$0x3FC7]  }
0x93: {  	s5 =	sld [smem:$0x3FC6]  }
0x94: {  	s6 =	sld [smem:$0x3FC5]  }
0x95: {  	s7 =	sld [smem:$0x3FC4]  }
0x96: {  	s8 =	sld [smem:$0x3FC3]  }
0x97: {  	s9 =	sld [smem:$0x3FD0];
	(tm) =	ssettm $0x1  }
0x98: {  	s10 =	sld [smem:$0x3FFB];
	_ =	sdelay $0x3  }
0x99: {  	_ =	strace s10  }
0x9a: {  	s10 =	sld [smem:$0x3FFC];
	_ =	sdelay $0x3  }
0x9b: {  	_ =	strace s10  }
0x9c: {  	s10 =	sld [smem:$0x3FFD];
	_ =	sdelay $0x3  }
0x9d: {  	_ =	strace s10  }
0x9e: {  	_ =	strace $0x8FFFFFFF  }
0x9f: {  	s20 =	sld [smem:$0x3FDB];
	_ =	sdelay $0x1  }
0xa0: {  	s11 =	simm.s32 $_scs_section_size  }
0xa1: {  	s12 =	simm.s32 $_size__tile_overlayer_lowered;
	s13 =	simm.s32 $_tile_overlayer_lowered  }
0xa2: {  	s23 =	simm.s32 $0x1BFF;
	s22 =	sshll.u32 s13, $0x1;
	s10 =	sadd.s32 s11, s20  }
0xa3: {  	s14 =	simm.s32 $0x0;
	s21 =	sshll.u32 s12, $0x1;
	s12 =	sadd.s32 s22, s10  }
0xa4: {  	[timem:s14], [sflag:s23] =	dma.local [hbm:s12], s21  }
0xa5: {  	_ =	swait.ge [sflag:s23], s21  }
0xa6: {  	s11 =	ssub.s32 $0x0, s21;
	[sflag:s23] =	ssyncset.done $0x0  }
0xa7: {  	[sflag:s23] =	ssyncadd.s32 s11;
	_ =	sdelay $0x1  }
0xa8: {  	s24 =	simm.s32 $0x1B8B  }
0xa9: {  	_ =	swait.ge [sflag:s24], $0x1  }
0xaa: {  	[sflag:s24] =	ssyncset.done $0x0  }
0xab: {  	s25 =	simm.s32 $0x1B8E;
	[sflag:s24] =	ssyncadd.s32 $0xFFFFFFFF  }
0xac: {  	s26 =	simm.s32 $execute0_lowered;
	[smem:$0x3FD2] =	sst s25  }
0xad: {  	s11 =	sshll.u32 s26, $0x1;
	_ =	strace $0x80000046;
	[dreg:$0x1] =	wrdreg $0xFFFFFFFF  }
0xae: {  	s28 =	simm.s32 $_size_execute0_lowered;
	s10 =	sadd.s32 s10, s11;
	[dreg:$0x0] =	wrdreg $0x0  }
0xaf: {  	s11 =	sshll.u32 s28, $0x1;
	[dreg:$0x2] =	wrdreg s10  }
0xb0: {  	[dreg:$0x3] =	wrdreg s11  }
0xb1: {  	[dreg:$0x4] =	wrdreg $0xC0  }
0xb2: {  	_ =	task [dreg:s14], $0x5FFFF  }
0xb3: {  	[dreg:$0x1] =	wrdreg $0xFFFFFFFF  }
0xb4: {  	[dreg:$0x0] =	wrdreg $0x60  }
0xb5: {  	[dreg:$0x2] =	wrdreg s2  }
0xb6: {  	[dreg:$0x3] =	wrdreg s19  }
0xb7: {  	[dreg:$0x4] =	wrdreg s4  }
0xb8: {  	[dreg:$0x5] =	wrdreg s5  }
0xb9: {  	[dreg:$0x6] =	wrdreg s6  }
0xba: {  	[dreg:$0x7] =	wrdreg s7  }
0xbb: {  	[dreg:$0x8] =	wrdreg s8  }
0xbc: {  	[dreg:$0x9] =	wrdreg s9  }
0xbd: {  	[dreg:$0xa] =	wrdreg $0x9  }
0xbe: {  	_ =	task.clear_ibuf [dreg:s14], $0xBFFFF;
	_ =	strace $0x90000046  }
0xbf: {  	s29 =	simm.s32 $0x9;
	_ =	strace $0x80000048  }
0xc0: {  	_ =	swait.ge [sflag:s29], $0x1  }
0xc1: {  	[sflag:s29] =	ssyncadd.s32 $0xFFFFFFFF  }
0xc2: {  	_ =	strace $0x90000048  }
0xc3: {  	_ =	sfence  }
0xc4: {  	s30 =	sld [smem:$0x0];
	_ =	sdelay $0x2  }
0xc5: {  	s31 =	sshll.u32 s1, $0xD;
	s1 =	sshrl.u32 s1, $0x2  }
0xc6: {  	s3 =	sand.u32 $0x4000, s31;
	s1 =	sadd.s32 s1, s30  }
0xc7: {  	s0 =	sor.u32 s3, s0;
	s1 =	sshll.u32 s1, $0x11  }
0xc8: {  	s0 =	sor.u32 s1, s0  }
0xc9: {  	s0 =	sadd.s32 $0x8F2B, s0  }
0xca: {  	[sflag:s0] =	ssyncadd.remote.s32 $0x1  }
0xcb: {  	_ =	sfence.sel $0xFFFF  }
0xcc: {  	[dreg:$0x0] =	wrdreg $0xFFFFFFFF;
	(pc) =	sbr.abs _section_cstart, $3  }
0xcd: {  	[dreg:$0x1] =	wrdreg $0xFFFFFFFF  }
0xce: {  	_ =	task.clear_ibuf [dreg:s14], $0x2FFFF;
	_ =	strace $0x9FFFFFFF  }
0xcf: {  	(tm) =	ssettm $0x7FFFFFFF  }
tec
execute0_lowered:
.L_overlay_start_1:
0x0: {  	(tag) =	ssettag $0x1  }
0x1: {  	v0 =	vimm.s32 $0xBA98FEDC;
	v1 =	vimm.s32 $0x76543210;
	v2 =	vlaneseq.u32  }
0x2: {  	s2 =	rddreg [dreg:$0x2];
	v3 =	vimm.s32 $0xFEDCBA98;
	v4 =	vimm.s32 $0x32107654;
	v5 =	vimm.s32 $0xDCFE98BA  }
0x3: {  	s5 =	rddreg [dreg:$0x4];
	s0 =	srdreg.scid;
	s3 =	simm.s32 $0x0;
	v6 =	vimm.s32 $0x54761032;
	v7 =	vimm.s32 $0xEFCDAB89;
	v8 =	vimm.s32 $0x67452301  }
0x4: {  	s4 =	stileid.u32;
	s19 =	simm.s32 $0x3;
	s23 =	simm.s32 $0x100;
	vm0 =	vmmov $0xffff;
	v0 =	vunpack.c.l.s4.s8 v0;
	v4 =	vunpack.c.l.s4.s8 v4  }
0x5: {  	s8 =	simm.s32 $0x10100;
	s9 =	simm.s32 $0x10900;
	s22 =	simm.s32 $0x11100;
	v1 =	vunpack.c.l.s4.s8 v1;
	v5 =	vunpack.c.l.s4.s8 v5;
	v6 =	vunpack.c.l.s4.s8 v6  }
0x6: {  	s24 =	simm.s32 $0x11900;
	s25 =	simm.s32 $0x1;
	s29 =	simm.s32 $0x0;
	v3 =	vunpack.c.l.s4.s8 v3;
	v0 =	vunpack.c.0.s8.s32 v0;
	v4 =	vunpack.c.0.s8.s32 v4  }
0x7: {  	s0 =	sand.u32 $0x1, s0;
	[smem:$0x7FF] =	sst s3;
	s28 =	sshll.u32 s4, $0x2;
	v7 =	vunpack.c.l.s4.s8 v7;
	v8 =	vunpack.c.l.s4.s8 v8;
	v5 =	vunpack.c.0.s8.s32 v5  }
0x8: {  	s4 =	sshll.u32 s4, $0x8;
	s13 =	sadd.s32 $0x100, s2;
	s14 =	sadd.s32 $0x200, s2;
	v6 =	vunpack.c.0.s8.s32 v6;
	v3 =	vunpack.c.0.s8.s32 v3;
	v9 =	vcombine.low v4, v0  }
0x9: {  	s15 =	sadd.s32 $0x80, s5;
	s16 =	sadd.s32 $0x100, s5;
	s1 =	ssub.s32 $0x2, s0;
	v4 =	vunpack.c.0.s8.s32 v7;
	v7 =	vunpack.c.0.s8.s32 v8;
	v0 =	vand.u32 $0x7, v2  }
0xa: {  	s3 =	simm.s32 $0x0;
	_ =	strace $0x80000047;
	s26 =	sshrl.u32 s1, $0x1;
	v6 =	vcombine.low v6, v5;
	v5 =	vshrl.u32 v2, $0x3;
	v8 =	vunpack.c.0.s8.s32 v1  }
0xb: {  	s0 =	sshll.u32 s0, $0x1;
	s30 =	sand.u32 $0xE00, s4;
	s1 =	ssub.s32 s1, s26;
	v2 =	vor.u32 $0x8, v2;
	v1 =	vmul.u32 $0x8, v5;
	v7 =	vcombine.low v7, v4  }
0xc: {  	s11 =	sor.u32 s0, s28;
	[dreg:$0x9] =	wrdreg s30;
	s31 =	smax.u32 s1, $0x1;
	v4 =	vand.u32 $0xF, v3;
	v3 =	vmul.u32 $0x4, v5;
	v5 =	vand.u32 $0xF, v9  }
0xd: {  	s26 =	simm.s32 $0x2;
	s1 =	simm.s32 $0xF900;
	[dreg:$0xa] =	wrdreg s31;
	v6 =	vand.u32 $0xF, v6;
	v4 =	vcombine.low v4, v8;
	v7 =	vand.u32 $0xF, v7  }
.LBB2_1:
0xe: {  	[dreg:$0xb] =	wrdreg s3  }
0xf: {  	s30 =	rddreg [dreg:$0x5];
	s4 =	simm.s32 $0x0;
	s0 =	simm.s32 $0x12100  }
0x10: {  	[tilespmem:s0], [sflag:$0x3] =	stream.linear.gather [hbm4b:s30+s4], $0x300, $0x38;
	[tilespmem:$0x12700] =	vst v63  }
0x11: {  	_ =	swait.ge [sflag:s19], $0x300  }
0x12: {  	[sflag:s19] =	ssyncset.done $0x0  }
0x13: {  	[sflag:s19] =	ssyncadd.s32 $0xFFFFFD00  }
0x14: {  	s6 =	simm.s32 $0x12400;
	s31 =	rddreg [dreg:$0x6]  }
0x15: {  	[tilespmem:s6], [sflag:$0x3] =	stream.linear.gather [hbm4b:s31+s4], $0x300, $0x38;
	[tilespmem:$0x12700] =	vst v63  }
0x16: {  	_ =	swait.ge [sflag:s19], $0x300  }
0x17: {  	[sflag:s19] =	ssyncset.done $0x0  }
0x18: {  	s0 =	simm.s32 $0x0;
	s6 =	simm.s32 $0x0;
	[sflag:s19] =	ssyncadd.s32 $0xFFFFFD00  }
.LBB2_2:
0x19: {  	s28 =	smul.u32 $0x6000, s6;
	_ =	sdelay $0x1  }
0x1a: {  	s4 =	rddreg [dreg:$0x3];
	s3 =	sshrl.u32 s28, $0x3  }
0x1b: {  	s18 =	simm.s32 $0x6100;
	s20 =	sshll.u32 s6, $0x5;
	s3 =	sadd.s32 s4, s3  }
0x1c: {  	[tilespmem:s18], [sflag:$0x3] =	stream.linear.gather [hbm4b:s3+s29], $0x6000, $0x38;
	[tilespmem:$0x12700] =	vst v63  }
0x1d: {  	s21 =	sshll.u32 s6, $0x2;
	p1 =	por $0x1, $0x1;
	_ =	swait.ge [sflag:s19], $0x6000  }
0x1e: {  	s4 =	sand.u32 $0xC, s21;
	s3 =	sand.u32 $0x180, s20;
	s31 =	rddreg [dreg:$0x9]  }
0x1f: {  	[dreg:$0xc] =	wrdreg s6;
	[sflag:s19] =	ssyncset.done $0x0;
	s3 =	sor.u32 s31, s3  }
0x20: {  	[sflag:s19] =	ssyncadd.s32 $0xFFFFA000;
	s30 =	sor.u32 s4, s3;
	s3 =	simm.s32 $0x0  }
.LBB2_3:
0x21: {  	s31 =	sor.u32 s11, s3  }
0x22: {  	s3 =	sshll.u32 s31, $0x4  }
0x23: {  	s3 =	sand.u32 $0x70, s3  }
0x24: {  	s4 =	rddreg [dreg:$0x0];
	s3 =	sor.u32 s3, s30  }
0x25: {  	s4 =	sadd.s32 s4, s3  }
0x26: {  	[tilespmem:s29], [sflag:$0x3] =	stream.linear.gather [hbm4b:s4+s29], $0x20, $0x38;
	[tilespmem:$0x12700] =	vst v63  }
0x27: {  	_ =	swait.ge [sflag:s19], $0x20  }
0x28: {  	[sflag:s19] =	ssyncset.done $0x0  }
0x29: {  	[sflag:s19] =	ssyncadd.s32 $0xFFFFFFE0  }
0x2a: {  	s20 =	rddreg [dreg:$0x1]  }
0x2b: {  	s21 =	simm.s32 $0x80;
	s3 =	sadd.s32 s20, s3  }
0x2c: {  	[tilespmem:s21], [sflag:$0x3] =	stream.linear.gather [hbm4b:s3+s29], $0x20, $0x38;
	[tilespmem:$0x12700] =	vst v63  }
0x2d: {  	_ =	swait.ge [sflag:s19], $0x20  }
0x2e: {  	[sflag:s19] =	ssyncset.done $0x0  }
0x2f: {  	[sflag:s19] =	ssyncadd.s32 $0xFFFFFFE0  }
0x30: {  	v8 =	vld [tilespmem:$0x0];
	_ =	sdelay $0x4  }
0x31: {  	v9 =	vshrl.u32 v8, $0x3  }
0x32: {  	v9 =	vmul.u32 $0x30, v9  }
0x33: {  	v8 =	vand.u32 $0x7, v8  }
0x34: {  	v8 =	vor.u32 v8, v9  }
0x35: {  	v9 =	vperm.xlane v8, v0;
	_ =	sdelay $0x1  }
0x36: {  	v9 =	vadd.s32 v1, v9;
	_ =	sdelay $0x3  }
0x37: {  	v8 =	vperm.xlane v8, v2  }
0x38: {  	[tilespmem:s23], [sflag:$0x1] =	stream.indirect_vreg.gather [hbm4b:s2+s29], $0x80, v9, vm0, $0xb8;
	[tilespmem:$0x12700] =	vst v63  }
0x39: {  	s4 =	simm.s32 $0x900;
	v8 =	vadd.s32 v1, v8  }
0x3a: {  	[tilespmem:s4], [sflag:$0x1] =	stream.indirect_vreg.gather [hbm4b:s13+s29], $0x80, v9, vm0, $0xb8;
	[tilespmem:$0x12700] =	vst v63  }
0x3b: {  	s6 =	simm.s32 $0x1100  }
0x3c: {  	[tilespmem:s6], [sflag:$0x1] =	stream.indirect_vreg.gather [hbm4b:s14+s29], $0x80, v9, vm0, $0xb8;
	[tilespmem:$0x12700] =	vst v63  }
0x3d: {  	s7 =	simm.s32 $0x1900  }
0x3e: {  	[tilespmem:s7], [sflag:$0x1] =	stream.indirect_vreg.gather [hbm4b:s2+s29], $0x80, v8, vm0, $0xb8;
	[tilespmem:$0x12700] =	vst v63  }
0x3f: {  	s10 =	simm.s32 $0x2100  }
0x40: {  	[tilespmem:s10], [sflag:$0x1] =	stream.indirect_vreg.gather [hbm4b:s13+s29], $0x80, v8, vm0, $0xb8;
	[tilespmem:$0x12700] =	vst v63  }
0x41: {  	s12 =	simm.s32 $0x2900  }
0x42: {  	[tilespmem:s12], [sflag:$0x1] =	stream.indirect_vreg.gather [hbm4b:s14+s29], $0x80, v8, vm0, $0xb8;
	[tilespmem:$0x12700] =	vst v63  }
0x43: {  	v8 =	vld [tilespmem:$0x10];
	_ =	sdelay $0x4  }
0x44: {  	v61 =	vshrl.u32 v8, $0x3  }
0x45: {  	v9 =	vmul.u32 $0x30, v61  }
0x46: {  	v8 =	vand.u32 $0x7, v8  }
0x47: {  	v8 =	vor.u32 v8, v9  }
0x48: {  	v9 =	vperm.xlane v8, v0;
	_ =	sdelay $0x1  }
0x49: {  	v9 =	vadd.s32 v1, v9;
	_ =	sdelay $0x3  }
0x4a: {  	s17 =	simm.s32 $0x3100;
	v8 =	vperm.xlane v8, v2  }
0x4b: {  	[tilespmem:s17], [sflag:$0x1] =	stream.indirect_vreg.gather [hbm4b:s2+s29], $0x80, v9, vm0, $0xb8;
	[tilespmem:$0x12700] =	vst v63  }
0x4c: {  	s18 =	simm.s32 $0x3900;
	v8 =	vadd.s32 v1, v8  }
0x4d: {  	[tilespmem:s18], [sflag:$0x1] =	stream.indirect_vreg.gather [hbm4b:s13+s29], $0x80, v9, vm0, $0xb8;
	[tilespmem:$0x12700] =	vst v63  }
0x4e: {  	s20 =	simm.s32 $0x4100  }
0x4f: {  	[tilespmem:s20], [sflag:$0x1] =	stream.indirect_vreg.gather [hbm4b:s14+s29], $0x80, v9, vm0, $0xb8;
	[tilespmem:$0x12700] =	vst v63  }
0x50: {  	s21 =	simm.s32 $0x4900  }
0x51: {  	[tilespmem:s21], [sflag:$0x1] =	stream.indirect_vreg.gather [hbm4b:s2+s29], $0x80, v8, vm0, $0xb8;
	[tilespmem:$0x12700] =	vst v63  }
0x52: {  	s4 =	simm.s32 $0x5100  }
0x53: {  	[tilespmem:s4], [sflag:$0x1] =	stream.indirect_vreg.gather [hbm4b:s13+s29], $0x80, v8, vm0, $0xb8;
	[tilespmem:$0x12700] =	vst v63  }
0x54: {  	s6 =	simm.s32 $0x5900  }
0x55: {  	[tilespmem:s6], [sflag:$0x1] =	stream.indirect_vreg.gather [hbm4b:s14+s29], $0x80, v8, vm0, $0xb8;
	[tilespmem:$0x12700] =	vst v63  }
0x56: {  	v8 =	vld [tilespmem:$0x80];
	_ =	sdelay $0x4  }
0x57: {  	v62 =	vshrl.u32 v8, $0x2  }
0x58: {  	v9 =	vmul.u32 $0x18, v62  }
0x59: {  	v8 =	vand.u32 $0x3, v8  }
0x5a: {  	v8 =	vor.u32 v8, v9  }
0x5b: {  	v9 =	vperm.xlane v8, v0;
	_ =	sdelay $0x1  }
0x5c: {  	v9 =	vadd.s32 v3, v9;
	_ =	sdelay $0x3  }
0x5d: {  	s7 =	simm.s32 $0xC100;
	v8 =	vperm.xlane v8, v2  }
0x5e: {  	[tilespmem:s7], [sflag:$0x2] =	stream.indirect_vreg.gather [hbm4b:s5+s29], $0x80, v9, vm0, $0xb8;
	[tilespmem:$0x12700] =	vst v63  }
0x5f: {  	s10 =	simm.s32 $0xC900;
	v8 =	vadd.s32 v3, v8  }
0x60: {  	[tilespmem:s10], [sflag:$0x2] =	stream.indirect_vreg.gather [hbm4b:s15+s29], $0x80, v9, vm0, $0xb8;
	[tilespmem:$0x12700] =	vst v63  }
0x61: {  	s12 =	simm.s32 $0xD100  }
0x62: {  	[tilespmem:s12], [sflag:$0x2] =	stream.indirect_vreg.gather [hbm4b:s16+s29], $0x80, v9, vm0, $0xb8;
	[tilespmem:$0x12700] =	vst v63  }
0x63: {  	s17 =	simm.s32 $0xD900  }
0x64: {  	[tilespmem:s17], [sflag:$0x2] =	stream.indirect_vreg.gather [hbm4b:s5+s29], $0x80, v8, vm0, $0xb8;
	[tilespmem:$0x12700] =	vst v63  }
0x65: {  	s18 =	simm.s32 $0xE100  }
0x66: {  	[tilespmem:s18], [sflag:$0x2] =	stream.indirect_vreg.gather [hbm4b:s15+s29], $0x80, v8, vm0, $0xb8;
	[tilespmem:$0x12700] =	vst v63  }
0x67: {  	s20 =	simm.s32 $0xE900  }
0x68: {  	[tilespmem:s20], [sflag:$0x2] =	stream.indirect_vreg.gather [hbm4b:s16+s29], $0x80, v8, vm0, $0xb8;
	[tilespmem:$0x12700] =	vst v63  }
0x69: {  	v8 =	vld [tilespmem:$0x90];
	_ =	sdelay $0x4  }
0x6a: {  	v63 =	vshrl.u32 v8, $0x2  }
0x6b: {  	v9 =	vmul.u32 $0x18, v63  }
0x6c: {  	v8 =	vand.u32 $0x3, v8  }
0x6d: {  	v8 =	vor.u32 v8, v9  }
0x6e: {  	v9 =	vperm.xlane v8, v0;
	_ =	sdelay $0x1  }
0x6f: {  	v9 =	vadd.s32 v3, v9;
	_ =	sdelay $0x3  }
0x70: {  	s21 =	simm.s32 $0xF100;
	v8 =	vperm.xlane v8, v2  }
0x71: {  	[tilespmem:s21], [sflag:$0x2] =	stream.indirect_vreg.gather [hbm4b:s5+s29], $0x80, v9, vm0, $0xb8;
	[tilespmem:$0x12700] =	vst v63  }
0x72: {  	v8 =	vadd.s32 v3, v8  }
0x73: {  	[tilespmem:s1], [sflag:$0x2] =	stream.indirect_vreg.gather [hbm4b:s15+s29], $0x80, v9, vm0, $0xb8;
	[tilespmem:$0x12700] =	vst v63  }
0x74: {  	_ = 	snop  }
0x75: {  	[tilespmem:s8], [sflag:$0x2] =	stream.indirect_vreg.gather [hbm4b:s16+s29], $0x80, v9, vm0, $0xb8;
	[tilespmem:$0x12700] =	vst v63  }
0x76: {  	_ = 	snop  }
0x77: {  	[tilespmem:s9], [sflag:$0x2] =	stream.indirect_vreg.gather [hbm4b:s5+s29], $0x80, v8, vm0, $0xb8;
	[tilespmem:$0x12700] =	vst v63  }
0x78: {  	_ = 	snop  }
0x79: {  	[tilespmem:s22], [sflag:$0x2] =	stream.indirect_vreg.gather [hbm4b:s15+s29], $0x80, v8, vm0, $0xb8;
	[tilespmem:$0x12700] =	vst v63  }
0x7a: {  	_ = 	snop  }
0x7b: {  	[tilespmem:s24], [sflag:$0x2] =	stream.indirect_vreg.gather [hbm4b:s16+s29], $0x80, v8, vm0, $0xb8;
	[tilespmem:$0x12700] =	vst v63  }
0x7c: {  	_ =	swait.ge [sflag:s25], $0x6000  }
0x7d: {  	[sflag:s25] =	ssyncset.done $0x0  }
0x7e: {  	[sflag:s25] =	ssyncadd.s32 $0xFFFFA000  }
0x7f: {  	_ =	swait.ge [sflag:s26], $0x6000  }
0x80: {  	[sflag:s26] =	ssyncset.done $0x0  }
0x81: {  	p0 =	por p1, p1;
	s4 =	simm.s32 $0x0;
	[sflag:s26] =	ssyncadd.s32 $0xFFFFA000  }
.LBB2_4:
0x82: {  	s6 =	sshrl.u32 s4, $0x3  }
0x83: {  	s7 =	sshll.u32 s4, $0x7;
	s3 =	smul.u32 $0x1800, s6  }
0x84: {  	s17 =	simm.s32 $0x0;
	s10 =	sand.u32 $0x380, s7  }
0x85: {  	s21 =	sand.u32 $0x1C00, s17;
	s7 =	sor.u32 s10, s3  }
0x86: {  	s17 =	sand.u32 $0x70, s17;
	s3 =	sadd.s32 s7, s21  }
0x87: {  	s18 =	sor.u32 s17, s3  }
0x88: {  	v9 =	vld [tilespmem:s18+$0x6100]  }
0x89: {  	v11 =	vld [tilespmem:s18+$0x100];
	_ =	sdelay $0x1  }
0x8a: {  	v10 =	vld [tilespmem:s18+$0xC100];
	_ =	sdelay $0x2  }
0x8b: {  	v8 =	vimm.f32 $0.0e+00;
	s20 =	simm.s32 $0x80;
	s3 =	simm.s32 $0x10;
	s17 =	simm.s32 $0x20;
	v11 =	vadd.f32 v9, v11;
	v9 =	vimm.f32 $0.0e+00  }
.LBB2_5:
0x8c: {  	p1 =	sne.s32 s17, $0x2F0;
	s21 =	sand.u32 $0x1C00, s20  }
0x8d: {  	s12 =	sand.u32 $0x70, s3;
	s3 =	smov.u32 s17;
	s21 =	sadd.s32 s7, s21;
	v10 =	vadd.f32 v10, v11  }
0x8e: {  	s12 =	sor.u32 s12, s21  }
0x8f: {  	v11 =	vld [tilespmem:s12+$0x6100];
	[tilespmem:s18+$0x100] =	vst v10;
	v8 =	vadd.f32 v10, v8;
	v10 =	vmul.f32 v10, v10;
	s18 =	smov.u32 s12  }
0x90: {  	v12 =	vld [tilespmem:s18+$0x100]  }
.Ltmp0:
0x91: {  	v9 =	vadd.f32 v10, v9;
	(pc) =	sbr.rel @p1 .LBB2_5-.Ltmp0, $2  }
0x92: {  	v10 =	vld [tilespmem:s18+$0xC100];
	_ =	sdelay $0x2  }
0x93: {  	s17 =	sadd.s32 $0x10, s17;
	s20 =	sadd.s32 $0x80, s20;
	v11 =	vadd.f32 v11, v12  }
0x94: {  	s12 =	sand.u32 $0x1C00, s20  }
0x95: {  	s3 =	sand.u32 $0x70, s3;
	s7 =	sadd.s32 s7, s12;
	v10 =	vadd.f32 v10, v11  }
0x96: {  	s3 =	sor.u32 s3, s7  }
0x97: {  	v11 =	vld [tilespmem:s3+$0x6100];
	[tilespmem:s18+$0x100] =	vst v10  }
0x98: {  	v12 =	vld [tilespmem:s3+$0x100];
	_ =	sdelay $0x1  }
0x99: {  	v13 =	vld [tilespmem:s3+$0xC100];
	_ =	sdelay $0x2  }
0x9a: {  	v11 =	vadd.f32 v11, v12;
	_ =	sdelay $0x1  }
0x9b: {  	v8 =	vadd.f32 v10, v8;
	v10 =	vmul.f32 v10, v10;
	v11 =	vadd.f32 v13, v11;
	_ =	sdelay $0x1  }
0x9c: {  	v9 =	vadd.f32 v10, v9;
	v8 =	vadd.f32 v11, v8;
	v10 =	vmul.f32 v11, v11;
	_ =	sdelay $0x1  }
0x9d: {  	v9 =	vadd.f32 v10, v9;
	v10 =	vperm.xlane v8, v4;
	_ =	sdelay $0x1  }
0x9e: {  	v8 =	vadd.f32 v10, v8;
	v10 =	vperm.xlane v9, v4;
	_ =	sdelay $0x1  }
0x9f: {  	v61 =	vperm.xlane v8, v5;
	v9 =	vadd.f32 v10, v9;
	_ =	sdelay $0x1  }
0xa0: {  	v8 =	vadd.f32 v61, v8;
	v10 =	vperm.xlane v9, v5;
	_ =	sdelay $0x1  }
0xa1: {  	v12 =	vperm.xlane v8, v6;
	v9 =	vadd.f32 v10, v9;
	_ =	sdelay $0x1  }
0xa2: {  	v8 =	vadd.f32 v12, v8;
	v10 =	vperm.xlane v9, v6;
	_ =	sdelay $0x1  }
0xa3: {  	v12 =	vperm.xlane v8, v7;
	v9 =	vadd.f32 v10, v9;
	_ =	sdelay $0x1  }
0xa4: {  	v8 =	vadd.f32 v12, v8;
	v10 =	vperm.xlane v9, v7;
	_ =	sdelay $0x1  }
0xa5: {  	v8 =	vmul.f32 $1.302083370e-03, v8;
	v9 =	vadd.f32 v10, v9;
	_ =	sdelay $0x1  }
0xa6: {  	v9 =	vmul.f32 $1.302083370e-03, v9;
	v10 =	vmul.f32 v8, v8;
	_ =	sdelay $0x1  }
0xa7: {  	v9 =	vsub.f32 v9, v10;
	_ =	sdelay $0x1  }
0xa8: {  	v9 =	vadd.f32 $9.999999740e-06, v9;
	_ =	sdelay $0x1  }
0xa9: {  	v10 =	vshrl.u32 v9, $0x1;
	v9 =	vmul.f32 $5.000000000e-01, v9  }
0xaa: {  	v10 =	vsub.s32 $0x5F3759DF, v10  }
0xab: {  	v62 =	vmul.f32 v10, v9;
	_ =	sdelay $0x1  }
0xac: {  	v12 =	vmul.f32 v10, v62;
	_ =	sdelay $0x1  }
0xad: {  	v12 =	vsub.f32 $1.500000000e+00, v12;
	_ =	sdelay $0x1  }
0xae: {  	v10 =	vmul.f32 v10, v12;
	_ =	sdelay $0x1  }
0xaf: {  	v12 =	vmul.f32 v10, v9;
	_ =	sdelay $0x1  }
0xb0: {  	s6 =	smul.u32 $0x6000, s6;
	v12 =	vmul.f32 v12, v10;
	_ =	sdelay $0x1  }
0xb1: {  	s20 =	simm.s32 $0x0;
	s6 =	sshra.s32 s6, $0x2;
	v12 =	vsub.f32 $1.500000000e+00, v12  }
0xb2: {  	s21 =	sand.u32 $0x7000, s20;
	s6 =	sor.u32 s10, s6  }
0xb3: {  	s10 =	sshrl.u32 s21, $0x2;
	s6 =	sadd.s32 $0x100, s6;
	v10 =	vmul.f32 v12, v10  }
0xb4: {  	s7 =	sand.u32 $0x70, s20;
	s10 =	sadd.s32 s10, s6  }
0xb5: {  	s10 =	sadd.s32 s7, s10;
	[tilespmem:s3+$0x100] =	vst v11;
	v9 =	vmul.f32 v10, v9  }
0xb6: {  	v11 =	vld [tilespmem:s10+$0x0]  }
0xb7: {  	v9 =	vmul.f32 v9, v10;
	_ =	sdelay $0x1  }
0xb8: {  	v9 =	vsub.f32 $1.500000000e+00, v9  }
0xb9: {  	s7 =	simm.s32 $0x12100  }
0xba: {  	v63 =	vld [tilespmem:s7+$0x0];
	v9 =	vmul.f32 v9, v10;
	v10 =	vsub.f32 v11, v8  }
0xbb: {  	s18 =	simm.s32 $0x12400  }
0xbc: {  	v11 =	vmul.f32 v10, v9;
	v10 =	vld [tilespmem:s18+$0x0];
	_ =	sdelay $0x2  }
0xbd: {  	s17 =	simm.s32 $0x200;
	v11 =	vmul.f32 v11, v63  }
0xbe: {  	s20 =	simm.s32 $0x10;
	s21 =	sand.u32 $0x7000, s17;
	s3 =	simm.s32 $0x20  }
.LBB2_7:
0xbf: {  	p1 =	sne.s32 s3, $0x2F0;
	s12 =	sshrl.u32 s21, $0x2;
	v10 =	vadd.f32 v11, v10  }
0xc0: {  	s21 =	sand.u32 $0x70, s20;
	s20 =	smov.u32 s3;
	s12 =	sadd.s32 s12, s6  }
0xc1: {  	[tilespmem:s10+$0x0] =	vst v10;
	s10 =	sadd.s32 s21, s12  }
0xc2: {  	v10 =	vld [tilespmem:s10+$0x0];
	_ =	sdelay $0x2  }
0xc3: {  	s7 =	sadd.s32 $0x10, s7  }
0xc4: {  	v11 =	vld [tilespmem:s7+$0x0]  }
0xc5: {  	s18 =	sadd.s32 $0x10, s18;
	v12 =	vsub.f32 v10, v8  }
.Ltmp1:
0xc6: {  	v10 =	vld [tilespmem:s18+$0x0];
	(pc) =	sbr.rel @p1 .LBB2_7-.Ltmp1, $3  }
0xc7: {  	v12 =	vmul.f32 v12, v9;
	_ =	sdelay $0x1  }
0xc8: {  	s17 =	sadd.s32 $0x200, s17;
	v11 =	vmul.f32 v12, v11  }
0xc9: {  	s3 =	sadd.s32 $0x10, s3;
	s21 =	sand.u32 $0x7000, s17  }
0xca: {  	s3 =	sshrl.u32 s21, $0x2;
	v10 =	vadd.f32 v11, v10  }
0xcb: {  	s12 =	sand.u32 $0x70, s20;
	s3 =	sadd.s32 s3, s6  }
0xcc: {  	s3 =	sadd.s32 s12, s3;
	[tilespmem:s10+$0x0] =	vst v10  }
0xcd: {  	v10 =	vld [tilespmem:s3+$0x0];
	_ =	sdelay $0x2  }
0xce: {  	s20 =	sadd.s32 $0x10, s7  }
0xcf: {  	v62 =	vld [tilespmem:s20+$0x0]  }
0xd0: {  	s21 =	sadd.s32 $0x10, s18;
	v8 =	vsub.f32 v10, v8  }
0xd1: {  	v63 =	vld [tilespmem:s21+$0x0]  }
0xd2: {  	s4 =	sadd.s32 $0x1, s4;
	v8 =	vmul.f32 v8, v9  }
0xd3: {  	p1 =	sne.s32 s4, $0x20  }
.Ltmp2:
0xd4: {  	v8 =	vmul.f32 v8, v62;
	(pc) =	sbr.rel @p1 .LBB2_4-.Ltmp2, $3  }
0xd5: {  	_ = 	snop  }
0xd6: {  	v8 =	vadd.f32 v8, v63;
	_ =	sdelay $0x1  }
0xd7: {  	[tilespmem:s3+$0x0] =	vst v8  }
0xd8: {  	s3 =	smul.u32 $0x60000, s31;
	_ =	sdelay $0x1  }
0xd9: {  	s3 =	sadd.s32 s28, s3  }
0xda: {  	s4 =	rddreg [dreg:$0x7];
	s3 =	sshrl.u32 s3, $0x3  }
.Ltmp3:
0xdb: {  	s3 =	sadd.s32 s4, s3;
	(pc) =	sbr.rel @p0 .LBB2_3-.Ltmp3, $4  }
0xdc: {  	[hbm4b:s3+s0] =	stream.linear.scatter [tilespmem:s23], [sflag:$0x3], $0x6000, $0x38;
	[tilespmem:$0x12700] =	vst v63  }
0xdd: {  	_ =	swait.ge [sflag:s19], $0x6000  }
0xde: {  	[sflag:s19] =	ssyncset.done $0x0  }
0xdf: {  	p1 =	por $0x0, $0x0;
	s3 =	simm.s32 $0x1;
	[sflag:s19] =	ssyncadd.s32 $0xFFFFA000  }
0xe0: {  	s6 =	rddreg [dreg:$0xc]  }
0xe1: {  	s6 =	sadd.s32 $0x1, s6  }
0xe2: {  	p0 =	sne.s32 s6, $0x10  }
.Ltmp4:
0xe3: {  	_ = 	snop;
	(pc) =	sbr.rel @p0 .LBB2_2-.Ltmp4, $1  }
0xe4: {  	_ =	sdelay $0x3  }
0xe5: {  	s3 =	rddreg [dreg:$0xb]  }
0xe6: {  	s0 =	rddreg [dreg:$0xa];
	s3 =	sadd.s32 $0x1, s3  }
0xe7: {  	p0 =	sne.s32 s3, s0  }
.Ltmp5:
0xe8: {  	_ = 	snop;
	(pc) =	sbr.rel @p0 .LBB2_1-.Ltmp5, $1  }
0xe9: {  	_ =	sdelay $0x3  }
0xea: {  	_ =	sfence.sel $0x180000  }
0xeb: {  	[bflag:$0x0] =	sbarrier.arrive $0xFFFF  }
0xec: {  	_ =	strace $0x90000047  }
0xed: {  	s0 =	stileid.u32;
	[bflag:$0x2] =	sbarrier.arrive $0xFFFF  }
0xee: {  	p0 =	sne.s32 s0, $0x0;
	s0 =	rddreg [dreg:$0x8]  }
0xef: {  	s0 =	sadd.s32 @!p0 $0x100000, s0  }
0xf0: {  	[sflag:s0] =	ssyncadd.tile.s32 @!p0 $0x1;
	_ =	shalt  }
.Lfunc_end2:
_tile_overlayer_lowered:
.L_overlay_start_2:
0xf1: {  	(tag) =	ssettag $0x2  }
0xf2: {  	s0 =	rddreg [dreg:$0x0];
	s2 =	stileid.u32  }
0xf3: {  	s1 =	rddreg [dreg:$0x1];
	p0 =	sne.s32 s2, $0x0  }
0xf4: {  	s3 =	rddreg [dreg:$0x2];
	[bflag:$0x3] =	sbarrier.arrive $0xFFFF;
	s2 =	simm.s32 @!p0 $0x1C03  }
0xf5: {  	[timem:s3], [sflag:s2] =	dma.local @!p0 [hbm:s0], s1  }
0xf6: {  	s0 =	simm.s32 @!p0 $0x3  }
0xf7: {  	_ =	swait.ge @!p0 [sflag:s0], s1  }
0xf8: {  	s1 =	ssub.s32 @!p0 $0x0, s1;
	[sflag:s0] =	ssyncset.done @!p0 $0x0  }
0xf9: {  	[sflag:s0] =	ssyncadd.s32 @!p0 s1  }
0xfa: {  	[bflag:$0x3] =	sbarrier.arrive $0xFFFF  }
0xfb: {  	_ =	shalt  }

</sc_bundles>
